<compile_context>
chip_gen: v7x
topology: tpu7x:2x2x1
jax: 0.10.2.dev20260603
libtpu: 0.0.44.dev20260713+nightly
codegen_flags: <defaults>
</compile_context>

<pallas_src>
import functools

import jax
import jax.numpy as jnp
from jax import lax
from jax.experimental import pallas as pl
from jax.experimental.pallas import tpu as pltpu
from jax.experimental.pallas import tpu_sc as plsc

NUM_USERS = 100000
NUM_ITEMS = 100000
D = 128
N_CAT = 26
CAT_VOCAB = 1000
CAT_D = 16
N_NUM = 13
B = 4096
H1 = 2048
H2 = 1024
CAT_DIM = N_CAT * CAT_D

NC = 2
NS = 16
NW = NC * NS

NCHUNK = 1
NB = B // NCHUNK
BPW = NB // NW
CPW = NB * N_CAT // 128 // NW

BT = 1024


def _sc_gather_body(uidx, iidx, cidx, ut, it, ct, uo, io, co,
                    uidx_v, iidx_v, cidx_v, urows, irows, crows,
                    usem, isem, csem):
    wid = lax.axis_index("s") * NC + lax.axis_index("c")
    base = wid * BPW
    su = pltpu.async_copy(uidx.at[pl.ds(base, BPW)], uidx_v, usem)
    si = pltpu.async_copy(iidx.at[pl.ds(base, BPW)], iidx_v, isem)
    sc = pltpu.async_copy(cidx.at[pl.ds(wid * CPW * 128, CPW * 128)],
                          cidx_v, csem)
    su.wait()
    gu = pltpu.async_copy(ut.at[uidx_v], urows, usem)
    si.wait()
    gi = pltpu.async_copy(it.at[iidx_v], irows, isem)
    sc.wait()

    def fire(j, carry):
        pltpu.async_copy(ct.at[cidx_v.at[pl.ds(j * 128, 128)]],
                         crows.at[j], csem)
        return carry

    lax.fori_loop(0, CPW, fire, 0)
    gu.wait()
    wu = pltpu.async_copy(urows, uo.at[pl.ds(base, BPW)], usem)
    gi.wait()
    wi = pltpu.async_copy(irows, io.at[pl.ds(base, BPW)], isem)
    pltpu.make_async_copy(co.at[wid], crows, csem).wait()
    wc = pltpu.async_copy(crows, co.at[wid], csem)
    wu.wait()
    wi.wait()
    wc.wait()


def _sc_gather(uidx, iidx, cidx, ut, it, ct):
    mesh = plsc.VectorSubcoreMesh(
        core_axis_name="c", subcore_axis_name="s",
        num_cores=NC, num_subcores=NS)
    f = pl.kernel(
        _sc_gather_body,
        out_type=(
            jax.ShapeDtypeStruct((NB, D), jnp.float32),
            jax.ShapeDtypeStruct((NB, D), jnp.float32),
            jax.ShapeDtypeStruct((NW, CPW, 128, CAT_D), jnp.float32),
        ),
        mesh=mesh,
        scratch_types=(
            pltpu.VMEM((BPW,), jnp.int32),
            pltpu.VMEM((BPW,), jnp.int32),
            pltpu.VMEM((CPW * 128,), jnp.int32),
            pltpu.VMEM((BPW, D), jnp.float32),
            pltpu.VMEM((BPW, D), jnp.float32),
            pltpu.VMEM((CPW, 128, CAT_D), jnp.float32),
            pltpu.SemaphoreType.DMA,
            pltpu.SemaphoreType.DMA,
            pltpu.SemaphoreType.DMA,
        ),
        compiler_params=pltpu.CompilerParams(use_tc_tiling_on_sc=False),
    )
    return f(uidx, iidx, cidx, ut, it, ct)


def _mlp_body(u, i, c, n, w1, b1, w2, b2, w3, b3, out):
    bf = jnp.bfloat16
    h = jnp.dot(u[...].astype(bf), w1[pl.ds(0, D), :].astype(bf),
                preferred_element_type=jnp.float32)
    h += jnp.dot(i[...].astype(bf), w1[pl.ds(D, D), :].astype(bf),
                 preferred_element_type=jnp.float32)
    h += jnp.dot(c[...].astype(bf), w1[pl.ds(2 * D, CAT_DIM), :].astype(bf),
                 preferred_element_type=jnp.float32)
    h += jnp.dot(n[...], w1[pl.ds(2 * D + CAT_DIM, N_NUM), :],
                 preferred_element_type=jnp.float32)
    h = jnp.maximum(h + b1[...], 0.0).astype(bf)
    h = jnp.maximum(
        jnp.dot(h, w2[...].astype(bf), preferred_element_type=jnp.float32)
        + b2[...], 0.0)
    out[...] = jnp.dot(h, w3[...], preferred_element_type=jnp.float32) + b3[0, 0]


def _mlp(u, i, c, n, w1, b1, w2, b2, w3, b3):
    bspec = lambda r, cdim: pl.BlockSpec((r, cdim), lambda b: (b, 0))
    wspec = lambda r, cdim: pl.BlockSpec((r, cdim), lambda b: (0, 0))
    return pl.pallas_call(
        _mlp_body,
        grid=(NB // BT,),
        in_specs=[
            bspec(BT, D), bspec(BT, D), bspec(BT, CAT_DIM), bspec(BT, N_NUM),
            wspec(D + D + CAT_DIM + N_NUM, H1),
            wspec(1, H1), wspec(H1, H2), wspec(1, H2), wspec(H2, 1),
            wspec(1, 1),
        ],
        out_specs=pl.BlockSpec((BT, 1), lambda b: (b, 0)),
        out_shape=jax.ShapeDtypeStruct((NB, 1), jnp.float32),
        compiler_params=pltpu.CompilerParams(
            dimension_semantics=("arbitrary",),
            vmem_limit_bytes=100 * 1024 * 1024,
        ),
    )(u, i, c, n, w1, b1, w2, b2, w3, b3)


def kernel(x, category_dict, numeric_dict, user_table, item_table, cat_table,
           W1, b1, W2, b2, W3, b3):
    uidx = x[:, 0].astype(jnp.int32)
    iidx = x[:, 1].astype(jnp.int32)
    offs = jnp.arange(N_CAT, dtype=jnp.int32) * CAT_VOCAB
    cidx = (category_dict.astype(jnp.int32) + offs[None, :]).reshape(-1)
    ue, ie, ce = _sc_gather(uidx, iidx, cidx,
                            user_table, item_table, cat_table)
    return _mlp(ue, ie, ce.reshape(NB, CAT_DIM), numeric_dict,
                W1, b1.reshape(1, H1), W2, b2.reshape(1, H2), W3,
                b3.reshape(1, 1))

# --- scband reference (transcript-rebuilt; emitter-appended) ---
"""Pipeline reference for scband-whole-model-lgcn-81707457839459 (READ-ONLY COPY).

The authoritative reference and input builder live on the scoring server;
editing this copy changes nothing except your own understanding.
"""

import jax, jax.numpy as jnp
import numpy as np

NUM_USERS = 100000
NUM_ITEMS = 100000
D = 128
N_CAT = 26
CAT_VOCAB = 1000
CAT_D = 16
N_NUM = 13
B = 4096
H1 = 2048
H2 = 1024
IN_DIM = D + D + N_CAT * CAT_D + N_NUM  # 685


def setup_inputs(seed: int = 0) -> dict:
    key = jax.random.key(seed)
    ks = jax.random.split(key, 12)
    x = jax.random.randint(ks[0], (B, 2), 0, NUM_USERS, dtype=jnp.int64 if jax.config.jax_enable_x64 else jnp.int32)
    category_dict = jax.random.randint(ks[1], (B, N_CAT), 0, CAT_VOCAB)
    numeric_dict = jax.random.normal(ks[2], (B, N_NUM), dtype=jnp.float32)
    user_table = jax.random.normal(ks[3], (NUM_USERS, D), dtype=jnp.float32) * 0.02
    item_table = jax.random.normal(ks[4], (NUM_ITEMS, D), dtype=jnp.float32) * 0.02
    cat_table = jax.random.normal(ks[5], (N_CAT * CAT_VOCAB, CAT_D), dtype=jnp.float32) * 0.02
    W1 = jax.random.normal(ks[6], (IN_DIM, H1), dtype=jnp.float32) * (1.0 / np.sqrt(IN_DIM))
    b1 = jnp.zeros((H1,), dtype=jnp.float32)
    W2 = jax.random.normal(ks[7], (H1, H2), dtype=jnp.float32) * (1.0 / np.sqrt(H1))
    b2 = jnp.zeros((H2,), dtype=jnp.float32)
    W3 = jax.random.normal(ks[8], (H2, 1), dtype=jnp.float32) * (1.0 / np.sqrt(H2))
    b3 = jnp.zeros((1,), dtype=jnp.float32)
    return {"x": x, "category_dict": category_dict, "numeric_dict": numeric_dict,
            "user_table": user_table, "item_table": item_table, "cat_table": cat_table,
            "W1": W1, "b1": b1, "W2": W2, "b2": b2, "W3": W3, "b3": b3}


def reference(x, category_dict, numeric_dict, user_table, item_table, cat_table,
              W1, b1, W2, b2, W3, b3):
    # pre_train_model(1) -> user embedding table; indexed by x[:, 0]
    user_emb = jnp.take(user_table, x[:, 0], axis=0)
    # down_stream_model(x[:, 1:], user_embedding, category_dict, numeric_dict)
    item_emb = jnp.take(item_table, x[:, 1], axis=0)
    offsets = jnp.arange(N_CAT, dtype=category_dict.dtype) * CAT_VOCAB
    cat_idx = category_dict + offsets[None, :]
    cat_emb = jnp.take(cat_table, cat_idx.reshape(-1), axis=0).reshape(B, N_CAT * CAT_D)
    h = jnp.concatenate([user_emb, item_emb, cat_emb, numeric_dict], axis=-1)
    h = jax.nn.relu(h @ W1 + b1)
    h = jax.nn.relu(h @ W2 + b2)
    out = h @ W3 + b3
    return out

if __name__ == "__main__":
    import jax
    _d = setup_inputs()
    print(jax.jit(kernel)(*tuple(_d.values())))

</pallas_src>

<mosaic_0001>
#map = affine_map<(d0, d1) -> (0)>
#map1 = affine_map<(d0, d1) -> (0, 0)>
#map2 = affine_map<(d0, d1) -> (0, 0, 0, 0)>
module attributes {stable_mosaic.version = 14 : i64} {
  func.func @_sc_gather_body(%arg0: i32, %arg1: i32, %arg2: memref<4096xi32, #tpu.memory_space<hbm>>, %arg3: memref<4096xi32, #tpu.memory_space<hbm>>, %arg4: memref<106496xi32, #tpu.memory_space<hbm>>, %arg5: memref<100000x128xf32, #tpu.memory_space<hbm>>, %arg6: memref<100000x128xf32, #tpu.memory_space<hbm>>, %arg7: memref<26000x16xf32, #tpu.memory_space<hbm>>, %arg8: memref<4096x128xf32, #tpu.memory_space<hbm>>, %arg9: memref<4096x128xf32, #tpu.memory_space<hbm>>, %arg10: memref<32x26x128x16xf32, #tpu.memory_space<hbm>>, %arg11: memref<128xi32, #tpu.memory_space<vmem>>, %arg12: memref<128xi32, #tpu.memory_space<vmem>>, %arg13: memref<3328xi32, #tpu.memory_space<vmem>>, %arg14: memref<128x128xf32, #tpu.memory_space<vmem>>, %arg15: memref<128x128xf32, #tpu.memory_space<vmem>>, %arg16: memref<26x128x16xf32, #tpu.memory_space<vmem>>, %arg17: memref<!tpu.dma_semaphore, #tpu.memory_space<semaphore_mem>>, %arg18: memref<!tpu.dma_semaphore, #tpu.memory_space<semaphore_mem>>, %arg19: memref<!tpu.dma_semaphore, #tpu.memory_space<semaphore_mem>>) attributes {dimension_semantics = [#tpu.dimension_semantics<core_parallel>, #tpu.dimension_semantics<subcore_parallel>], iteration_bounds = array<i64: 2, 16>, scalar_prefetch = 0 : i64, scratch_operands = 9 : i64, tpu.core_type = #tpu.core_type<sc_vector_subcore>, window_params = [{transform_indices = #map}, {transform_indices = #map}, {transform_indices = #map}, {transform_indices = #map1}, {transform_indices = #map1}, {transform_indices = #map1}, {transform_indices = #map1}, {transform_indices = #map1}, {transform_indices = #map2}]} {
    %mul3A = arith.constant 2 : i32
    %mul3A_0 = arith.muli %arg1, %mul3A : i32
    %add3A = arith.addi %mul3A_0, %arg0 : i32
    %mul3A_1 = arith.constant 128 : i32
    %mul3A_2 = arith.muli %add3A, %mul3A_1 : i32
    %dma_start3A = tpu.memref_slice %arg2[%mul3A_2] : memref<4096xi32, #tpu.memory_space<hbm>> -> memref<128xi32, #tpu.memory_space<hbm>>
    %dma_start3A_3 = tpu.memref_slice %arg2[%mul3A_2] : memref<4096xi32, #tpu.memory_space<hbm>> -> memref<128xi32, #tpu.memory_space<hbm>>
    tpu.enqueue_dma source(%dma_start3A_3 : memref<128xi32, #tpu.memory_space<hbm>>) target(%arg11 : memref<128xi32, #tpu.memory_space<vmem>>) target_semaphore(%arg17 : memref<!tpu.dma_semaphore, #tpu.memory_space<semaphore_mem>>)
    %dma_start3A_4 = tpu.memref_slice %arg3[%mul3A_2] : memref<4096xi32, #tpu.memory_space<hbm>> -> memref<128xi32, #tpu.memory_space<hbm>>
    %dma_start3A_5 = tpu.memref_slice %arg3[%mul3A_2] : memref<4096xi32, #tpu.memory_space<hbm>> -> memref<128xi32, #tpu.memory_space<hbm>>
    tpu.enqueue_dma source(%dma_start3A_5 : memref<128xi32, #tpu.memory_space<hbm>>) target(%arg12 : memref<128xi32, #tpu.memory_space<vmem>>) target_semaphore(%arg18 : memref<!tpu.dma_semaphore, #tpu.memory_space<semaphore_mem>>)
    %mul3A_6 = arith.constant 26 : i32
    %mul3A_7 = arith.muli %add3A, %mul3A_6 : i32
    %mul3A_8 = arith.constant 128 : i32
    %mul3A_9 = arith.muli %mul3A_7, %mul3A_8 : i32
    %dma_start3A_10 = tpu.memref_slice %arg4[%mul3A_9] : memref<106496xi32, #tpu.memory_space<hbm>> -> memref<3328xi32, #tpu.memory_space<hbm>>
    %dma_start3A_11 = tpu.memref_slice %arg4[%mul3A_9] : memref<106496xi32, #tpu.memory_space<hbm>> -> memref<3328xi32, #tpu.memory_space<hbm>>
    tpu.enqueue_dma source(%dma_start3A_11 : memref<3328xi32, #tpu.memory_space<hbm>>) target(%arg13 : memref<3328xi32, #tpu.memory_space<vmem>>) target_semaphore(%arg19 : memref<!tpu.dma_semaphore, #tpu.memory_space<semaphore_mem>>)
    %dma_wait3A = tpu.memref_slice %arg2[%mul3A_2] : memref<4096xi32, #tpu.memory_space<hbm>> -> memref<128xi32, #tpu.memory_space<hbm>>
    %dma_wait3A_12 = tpu.memref_slice %arg2[%mul3A_2] : memref<4096xi32, #tpu.memory_space<hbm>> -> memref<128xi32, #tpu.memory_space<hbm>>
    tpu.wait_dma2 semaphore(%arg17 : memref<!tpu.dma_semaphore, #tpu.memory_space<semaphore_mem>>) src(%dma_wait3A_12 : memref<128xi32, #tpu.memory_space<hbm>>) dst(%arg11 : memref<128xi32, #tpu.memory_space<vmem>>)
    %dma_start3A_13 = arith.constant 0 : i32
    %dma_start3A_14 = arith.constant 0 : i32
    %dma_start3A_15 = tpu.memref_slice %arg5[%dma_start3A_13, %dma_start3A_14] : memref<100000x128xf32, #tpu.memory_space<hbm>> -> memref<100000x128xf32, #tpu.memory_space<hbm>>
    tpu.enqueue_indirect_dma source(%dma_start3A_15 : memref<100000x128xf32, #tpu.memory_space<hbm>>) target(%arg14 : memref<128x128xf32, #tpu.memory_space<vmem>>) offsets(%arg11 : memref<128xi32, #tpu.memory_space<vmem>>) semaphore(%arg17 : memref<!tpu.dma_semaphore, #tpu.memory_space<semaphore_mem>>)
    %dma_wait3A_16 = tpu.memref_slice %arg3[%mul3A_2] : memref<4096xi32, #tpu.memory_space<hbm>> -> memref<128xi32, #tpu.memory_space<hbm>>
    %dma_wait3A_17 = tpu.memref_slice %arg3[%mul3A_2] : memref<4096xi32, #tpu.memory_space<hbm>> -> memref<128xi32, #tpu.memory_space<hbm>>
    tpu.wait_dma2 semaphore(%arg18 : memref<!tpu.dma_semaphore, #tpu.memory_space<semaphore_mem>>) src(%dma_wait3A_17 : memref<128xi32, #tpu.memory_space<hbm>>) dst(%arg12 : memref<128xi32, #tpu.memory_space<vmem>>)
    %dma_start3A_18 = arith.constant 0 : i32
    %dma_start3A_19 = arith.constant 0 : i32
    %dma_start3A_20 = tpu.memref_slice %arg6[%dma_start3A_18, %dma_start3A_19] : memref<100000x128xf32, #tpu.memory_space<hbm>> -> memref<100000x128xf32, #tpu.memory_space<hbm>>
    tpu.enqueue_indirect_dma source(%dma_start3A_20 : memref<100000x128xf32, #tpu.memory_space<hbm>>) target(%arg15 : memref<128x128xf32, #tpu.memory_space<vmem>>) offsets(%arg12 : memref<128xi32, #tpu.memory_space<vmem>>) semaphore(%arg18 : memref<!tpu.dma_semaphore, #tpu.memory_space<semaphore_mem>>)
    %dma_wait3A_21 = tpu.memref_slice %arg4[%mul3A_9] : memref<106496xi32, #tpu.memory_space<hbm>> -> memref<3328xi32, #tpu.memory_space<hbm>>
    %dma_wait3A_22 = tpu.memref_slice %arg4[%mul3A_9] : memref<106496xi32, #tpu.memory_space<hbm>> -> memref<3328xi32, #tpu.memory_space<hbm>>
    tpu.wait_dma2 semaphore(%arg19 : memref<!tpu.dma_semaphore, #tpu.memory_space<semaphore_mem>>) src(%dma_wait3A_22 : memref<3328xi32, #tpu.memory_space<hbm>>) dst(%arg13 : memref<3328xi32, #tpu.memory_space<vmem>>)
    %scan3A = arith.constant 0 : i32
    %scan3A_23 = arith.constant 0 : i32
    %scan3A_24 = arith.constant 26 : i32
    %scan3A_25 = arith.addi %scan3A_23, %scan3A_24 : i32
    %scan3A_26 = arith.constant 1 : i32
    scf.for %scan3A_80 = %scan3A_23 to %scan3A_25 step %scan3A_26  : i32 {
      %mul3A_81 = arith.constant 128 : i32
      %mul3A_82 = arith.muli %scan3A_80, %mul3A_81 : i32
      %dma_start3A_83 = arith.constant 0 : i32
      %dma_start3A_84 = arith.constant 0 : i32
      %dma_start3A_85 = tpu.memref_slice %arg16[%scan3A_80, %dma_start3A_83, %dma_start3A_84] : memref<26x128x16xf32, #tpu.memory_space<vmem>> -> memref<1x128x16xf32, #tpu.memory_space<vmem>>
      %dma_start3A_86 = tpu.memref_squeeze %dma_start3A_85 : memref<1x128x16xf32, #tpu.memory_space<vmem>> -> memref<128x16xf32, #tpu.memory_space<vmem>>
      %dma_start3A_87 = tpu.memref_slice %arg13[%mul3A_82] : memref<3328xi32, #tpu.memory_space<vmem>> -> memref<128xi32, #tpu.memory_space<vmem>>
      %dma_start3A_88 = arith.constant 0 : i32
      %dma_start3A_89 = arith.constant 0 : i32
      %dma_start3A_90 = tpu.memref_slice %arg7[%dma_start3A_88, %dma_start3A_89] : memref<26000x16xf32, #tpu.memory_space<hbm>> -> memref<26000x16xf32, #tpu.memory_space<hbm>>
      tpu.enqueue_indirect_dma source(%dma_start3A_90 : memref<26000x16xf32, #tpu.memory_space<hbm>>) target(%dma_start3A_86 : memref<128x16xf32, #tpu.memory_space<vmem>>) offsets(%dma_start3A_87 : memref<128xi32, #tpu.memory_space<vmem>>) semaphore(%arg19 : memref<!tpu.dma_semaphore, #tpu.memory_space<semaphore_mem>>)
    }
    %scan3A_27 = arith.constant 26 : i32
    %dma_wait3A_28 = arith.constant 0 : i32
    %dma_wait3A_29 = arith.constant 0 : i32
    %dma_wait3A_30 = tpu.memref_slice %arg5[%dma_wait3A_28, %dma_wait3A_29] : memref<100000x128xf32, #tpu.memory_space<hbm>> -> memref<100000x128xf32, #tpu.memory_space<hbm>>
    tpu.wait_indirect_dma semaphore(%arg17 : memref<!tpu.dma_semaphore, #tpu.memory_space<semaphore_mem>>) src(%dma_wait3A_30 : memref<100000x128xf32, #tpu.memory_space<hbm>>) dst(%arg14 : memref<128x128xf32, #tpu.memory_space<vmem>>)
    %dma_start3A_31 = arith.constant 0 : i32
    %dma_start3A_32 = tpu.memref_slice %arg8[%mul3A_2, %dma_start3A_31] : memref<4096x128xf32, #tpu.memory_space<hbm>> -> memref<128x128xf32, #tpu.memory_space<hbm>>
    %dma_start3A_33 = arith.constant 0 : i32
    %dma_start3A_34 = tpu.memref_slice %arg8[%mul3A_2, %dma_start3A_33] : memref<4096x128xf32, #tpu.memory_space<hbm>> -> memref<128x128xf32, #tpu.memory_space<hbm>>
    tpu.enqueue_dma source(%arg14 : memref<128x128xf32, #tpu.memory_space<vmem>>) target(%dma_start3A_34 : memref<128x128xf32, #tpu.memory_space<hbm>>) target_semaphore(%arg17 : memref<!tpu.dma_semaphore, #tpu.memory_space<semaphore_mem>>)
    %dma_wait3A_35 = arith.constant 0 : i32
    %dma_wait3A_36 = arith.constant 0 : i32
    %dma_wait3A_37 = tpu.memref_slice %arg6[%dma_wait3A_35, %dma_wait3A_36] : memref<100000x128xf32, #tpu.memory_space<hbm>> -> memref<100000x128xf32, #tpu.memory_space<hbm>>
    tpu.wait_indirect_dma semaphore(%arg18 : memref<!tpu.dma_semaphore, #tpu.memory_space<semaphore_mem>>) src(%dma_wait3A_37 : memref<100000x128xf32, #tpu.memory_space<hbm>>) dst(%arg15 : memref<128x128xf32, #tpu.memory_space<vmem>>)
    %dma_start3A_38 = arith.constant 0 : i32
    %dma_start3A_39 = tpu.memref_slice %arg9[%mul3A_2, %dma_start3A_38] : memref<4096x128xf32, #tpu.memory_space<hbm>> -> memref<128x128xf32, #tpu.memory_space<hbm>>
    %dma_start3A_40 = arith.constant 0 : i32
    %dma_start3A_41 = tpu.memref_slice %arg9[%mul3A_2, %dma_start3A_40] : memref<4096x128xf32, #tpu.memory_space<hbm>> -> memref<128x128xf32, #tpu.memory_space<hbm>>
    tpu.enqueue_dma source(%arg15 : memref<128x128xf32, #tpu.memory_space<vmem>>) target(%dma_start3A_41 : memref<128x128xf32, #tpu.memory_space<hbm>>) target_semaphore(%arg18 : memref<!tpu.dma_semaphore, #tpu.memory_space<semaphore_mem>>)
    %dma_wait3A_42 = arith.constant 0 : i32
    %dma_wait3A_43 = arith.constant 0 : i32
    %dma_wait3A_44 = arith.constant 0 : i32
    %dma_wait3A_45 = tpu.memref_slice %arg10[%add3A, %dma_wait3A_42, %dma_wait3A_43, %dma_wait3A_44] : memref<32x26x128x16xf32, #tpu.memory_space<hbm>> -> memref<1x26x128x16xf32, #tpu.memory_space<hbm>>
    %dma_wait3A_46 = tpu.memref_squeeze %dma_wait3A_45 : memref<1x26x128x16xf32, #tpu.memory_space<hbm>> -> memref<26x128x16xf32, #tpu.memory_space<hbm>>
    %dma_wait3A_47 = arith.constant 0 : i32
    %dma_wait3A_48 = arith.constant 0 : i32
    %dma_wait3A_49 = arith.constant 0 : i32
    %dma_wait3A_50 = tpu.memref_slice %arg10[%add3A, %dma_wait3A_47, %dma_wait3A_48, %dma_wait3A_49] : memref<32x26x128x16xf32, #tpu.memory_space<hbm>> -> memref<1x26x128x16xf32, #tpu.memory_space<hbm>>
    %dma_wait3A_51 = tpu.memref_squeeze %dma_wait3A_50 : memref<1x26x128x16xf32, #tpu.memory_space<hbm>> -> memref<26x128x16xf32, #tpu.memory_space<hbm>>
    tpu.wait_dma2 semaphore(%arg19 : memref<!tpu.dma_semaphore, #tpu.memory_space<semaphore_mem>>) src(%dma_wait3A_51 : memref<26x128x16xf32, #tpu.memory_space<hbm>>) dst(%arg16 : memref<26x128x16xf32, #tpu.memory_space<vmem>>)
    %dma_start3A_52 = arith.constant 0 : i32
    %dma_start3A_53 = arith.constant 0 : i32
    %dma_start3A_54 = arith.constant 0 : i32
    %dma_start3A_55 = tpu.memref_slice %arg10[%add3A, %dma_start3A_52, %dma_start3A_53, %dma_start3A_54] : memref<32x26x128x16xf32, #tpu.memory_space<hbm>> -> memref<1x26x128x16xf32, #tpu.memory_space<hbm>>
    %dma_start3A_56 = tpu.memref_squeeze %dma_start3A_55 : memref<1x26x128x16xf32, #tpu.memory_space<hbm>> -> memref<26x128x16xf32, #tpu.memory_space<hbm>>
    %dma_start3A_57 = arith.constant 0 : i32
    %dma_start3A_58 = arith.constant 0 : i32
    %dma_start3A_59 = arith.constant 0 : i32
    %dma_start3A_60 = tpu.memref_slice %arg10[%add3A, %dma_start3A_57, %dma_start3A_58, %dma_start3A_59] : memref<32x26x128x16xf32, #tpu.memory_space<hbm>> -> memref<1x26x128x16xf32, #tpu.memory_space<hbm>>
    %dma_start3A_61 = tpu.memref_squeeze %dma_start3A_60 : memref<1x26x128x16xf32, #tpu.memory_space<hbm>> -> memref<26x128x16xf32, #tpu.memory_space<hbm>>
    tpu.enqueue_dma source(%arg16 : memref<26x128x16xf32, #tpu.memory_space<vmem>>) target(%dma_start3A_61 : memref<26x128x16xf32, #tpu.memory_space<hbm>>) target_semaphore(%arg19 : memref<!tpu.dma_semaphore, #tpu.memory_space<semaphore_mem>>)
    %dma_wait3A_62 = arith.constant 0 : i32
    %dma_wait3A_63 = tpu.memref_slice %arg8[%mul3A_2, %dma_wait3A_62] : memref<4096x128xf32, #tpu.memory_space<hbm>> -> memref<128x128xf32, #tpu.memory_space<hbm>>
    %dma_wait3A_64 = arith.constant 0 : i32
    %dma_wait3A_65 = tpu.memref_slice %arg8[%mul3A_2, %dma_wait3A_64] : memref<4096x128xf32, #tpu.memory_space<hbm>> -> memref<128x128xf32, #tpu.memory_space<hbm>>
    tpu.wait_dma2 semaphore(%arg17 : memref<!tpu.dma_semaphore, #tpu.memory_space<semaphore_mem>>) src(%arg14 : memref<128x128xf32, #tpu.memory_space<vmem>>) dst(%dma_wait3A_65 : memref<128x128xf32, #tpu.memory_space<hbm>>)
    %dma_wait3A_66 = arith.constant 0 : i32
    %dma_wait3A_67 = tpu.memref_slice %arg9[%mul3A_2, %dma_wait3A_66] : memref<4096x128xf32, #tpu.memory_space<hbm>> -> memref<128x128xf32, #tpu.memory_space<hbm>>
    %dma_wait3A_68 = arith.constant 0 : i32
    %dma_wait3A_69 = tpu.memref_slice %arg9[%mul3A_2, %dma_wait3A_68] : memref<4096x128xf32, #tpu.memory_space<hbm>> -> memref<128x128xf32, #tpu.memory_space<hbm>>
    tpu.wait_dma2 semaphore(%arg18 : memref<!tpu.dma_semaphore, #tpu.memory_space<semaphore_mem>>) src(%arg15 : memref<128x128xf32, #tpu.memory_space<vmem>>) dst(%dma_wait3A_69 : memref<128x128xf32, #tpu.memory_space<hbm>>)
    %dma_wait3A_70 = arith.constant 0 : i32
    %dma_wait3A_71 = arith.constant 0 : i32
    %dma_wait3A_72 = arith.constant 0 : i32
    %dma_wait3A_73 = tpu.memref_slice %arg10[%add3A, %dma_wait3A_70, %dma_wait3A_71, %dma_wait3A_72] : memref<32x26x128x16xf32, #tpu.memory_space<hbm>> -> memref<1x26x128x16xf32, #tpu.memory_space<hbm>>
    %dma_wait3A_74 = tpu.memref_squeeze %dma_wait3A_73 : memref<1x26x128x16xf32, #tpu.memory_space<hbm>> -> memref<26x128x16xf32, #tpu.memory_space<hbm>>
    %dma_wait3A_75 = arith.constant 0 : i32
    %dma_wait3A_76 = arith.constant 0 : i32
    %dma_wait3A_77 = arith.constant 0 : i32
    %dma_wait3A_78 = tpu.memref_slice %arg10[%add3A, %dma_wait3A_75, %dma_wait3A_76, %dma_wait3A_77] : memref<32x26x128x16xf32, #tpu.memory_space<hbm>> -> memref<1x26x128x16xf32, #tpu.memory_space<hbm>>
    %dma_wait3A_79 = tpu.memref_squeeze %dma_wait3A_78 : memref<1x26x128x16xf32, #tpu.memory_space<hbm>> -> memref<26x128x16xf32, #tpu.memory_space<hbm>>
    tpu.wait_dma2 semaphore(%arg19 : memref<!tpu.dma_semaphore, #tpu.memory_space<semaphore_mem>>) src(%arg16 : memref<26x128x16xf32, #tpu.memory_space<vmem>>) dst(%dma_wait3A_79 : memref<26x128x16xf32, #tpu.memory_space<hbm>>)
    return
  }
}

module attributes {stable_mosaic.version = 14 : i64} {
  func.func @_mlp_body(%arg0: i32, %arg1: memref<1024x128xf32, #tpu.memory_space<vmem>>, %arg2: memref<1024x128xf32, #tpu.memory_space<vmem>>, %arg3: memref<1024x416xf32, #tpu.memory_space<vmem>>, %arg4: memref<1024x13xf32, #tpu.memory_space<vmem>>, %arg5: memref<685x2048xf32, #tpu.memory_space<vmem>>, %arg6: memref<1x2048xf32, #tpu.memory_space<vmem>>, %arg7: memref<2048x1024xf32, #tpu.memory_space<vmem>>, %arg8: memref<1x1024xf32, #tpu.memory_space<vmem>>, %arg9: memref<1024x1xf32, #tpu.memory_space<vmem>>, %arg10: memref<1x1xf32, #tpu.memory_space<vmem>>, %arg11: memref<1024x1xf32, #tpu.memory_space<vmem>>) attributes {dimension_semantics = [#tpu.dimension_semantics<arbitrary>], iteration_bounds = array<i64: 4>, scalar_prefetch = 0 : i64, scratch_operands = 0 : i64, tpu.core_type = #tpu.core_type<tc>, window_params = [{transform_indices = @transform_0, window_bounds = array<i64: 1024, 128>}, {transform_indices = @transform_1, window_bounds = array<i64: 1024, 128>}, {transform_indices = @transform_2, window_bounds = array<i64: 1024, 416>}, {transform_indices = @transform_3, window_bounds = array<i64: 1024, 13>}, {pipeline_mode = #tpu.pipeline_mode<synchronous>, transform_indices = @transform_4, window_bounds = array<i64: 685, 2048>}, {pipeline_mode = #tpu.pipeline_mode<synchronous>, transform_indices = @transform_5, window_bounds = array<i64: 1, 2048>}, {pipeline_mode = #tpu.pipeline_mode<synchronous>, transform_indices = @transform_6, window_bounds = array<i64: 2048, 1024>}, {pipeline_mode = #tpu.pipeline_mode<synchronous>, transform_indices = @transform_7, window_bounds = array<i64: 1, 1024>}, {pipeline_mode = #tpu.pipeline_mode<synchronous>, transform_indices = @transform_8, window_bounds = array<i64: 1024, 1>}, {pipeline_mode = #tpu.pipeline_mode<synchronous>, transform_indices = @transform_9, window_bounds = array<i64: 1, 1>}, {transform_indices = @transform_10, window_bounds = array<i64: 1024, 1>}]} {
    %get3A = arith.constant 0 : index
    %get3A_0 = arith.constant 0 : index
    %get3A_1 = vector.load %arg1[%get3A, %get3A_0] : memref<1024x128xf32, #tpu.memory_space<vmem>>, vector<1024x128xf32>
    %convert_element_type3A = arith.truncf %get3A_1 : vector<1024x128xf32> to vector<1024x128xbf16>
    %get3A_2 = arith.constant 0 : index
    %get3A_3 = arith.constant 0 : index
    %get3A_4 = vector.load %arg5[%get3A_2, %get3A_3] : memref<685x2048xf32, #tpu.memory_space<vmem>>, vector<128x2048xf32>
    %convert_element_type3A_5 = arith.truncf %get3A_4 : vector<128x2048xf32> to vector<128x2048xbf16>
    %dot_general3A = arith.constant dense<0.000000e+00> : vector<1024x2048xf32>
    %dot_general3A_6 = tpu.matmul %convert_element_type3A, %convert_element_type3A_5, %dot_general3A {dimension_numbers = #tpu.dot_dimension_numbers<[1], [0], [0], [1], [0, 0, 1, 1], [], []>, transpose_lhs_hint = false} : vector<1024x128xbf16>, vector<128x2048xbf16>, vector<1024x2048xf32> -> vector<1024x2048xf32>
    %get3A_7 = arith.constant 0 : index
    %get3A_8 = arith.constant 0 : index
    %get3A_9 = vector.load %arg2[%get3A_7, %get3A_8] : memref<1024x128xf32, #tpu.memory_space<vmem>>, vector<1024x128xf32>
    %convert_element_type3A_10 = arith.truncf %get3A_9 : vector<1024x128xf32> to vector<1024x128xbf16>
    %get3A_11 = arith.constant 128 : index
    %get3A_12 = arith.constant 0 : index
    %get3A_13 = vector.load %arg5[%get3A_11, %get3A_12] : memref<685x2048xf32, #tpu.memory_space<vmem>>, vector<128x2048xf32>
    %convert_element_type3A_14 = arith.truncf %get3A_13 : vector<128x2048xf32> to vector<128x2048xbf16>
    %dot_general3A_15 = arith.constant dense<0.000000e+00> : vector<1024x2048xf32>
    %dot_general3A_16 = tpu.matmul %convert_element_type3A_10, %convert_element_type3A_14, %dot_general3A_15 {dimension_numbers = #tpu.dot_dimension_numbers<[1], [0], [0], [1], [0, 0, 1, 1], [], []>, transpose_lhs_hint = false} : vector<1024x128xbf16>, vector<128x2048xbf16>, vector<1024x2048xf32> -> vector<1024x2048xf32>
    %add3A = arith.addf %dot_general3A_6, %dot_general3A_16 : vector<1024x2048xf32>
    %get3A_17 = arith.constant 0 : index
    %get3A_18 = arith.constant 0 : index
    %get3A_19 = vector.load %arg3[%get3A_17, %get3A_18] : memref<1024x416xf32, #tpu.memory_space<vmem>>, vector<1024x416xf32>
    %convert_element_type3A_20 = arith.truncf %get3A_19 : vector<1024x416xf32> to vector<1024x416xbf16>
    %get3A_21 = arith.constant 256 : index
    %get3A_22 = arith.constant 0 : index
    %get3A_23 = vector.load %arg5[%get3A_21, %get3A_22] : memref<685x2048xf32, #tpu.memory_space<vmem>>, vector<416x2048xf32>
    %convert_element_type3A_24 = arith.truncf %get3A_23 : vector<416x2048xf32> to vector<416x2048xbf16>
    %dot_general3A_25 = arith.constant dense<0.000000e+00> : vector<1024x2048xf32>
    %dot_general3A_26 = tpu.matmul %convert_element_type3A_20, %convert_element_type3A_24, %dot_general3A_25 {dimension_numbers = #tpu.dot_dimension_numbers<[1], [0], [0], [1], [0, 0, 1, 1], [], []>, transpose_lhs_hint = false} : vector<1024x416xbf16>, vector<416x2048xbf16>, vector<1024x2048xf32> -> vector<1024x2048xf32>
    %add3A_27 = arith.addf %add3A, %dot_general3A_26 : vector<1024x2048xf32>
    %get3A_28 = arith.constant 0 : index
    %get3A_29 = arith.constant 0 : index
    %get3A_30 = vector.load %arg4[%get3A_28, %get3A_29] : memref<1024x13xf32, #tpu.memory_space<vmem>>, vector<1024x13xf32>
    %get3A_31 = arith.constant 672 : index
    %get3A_32 = arith.constant 0 : index
    %get3A_33 = vector.load %arg5[%get3A_31, %get3A_32] : memref<685x2048xf32, #tpu.memory_space<vmem>>, vector<13x2048xf32>
    %dot_general3A_34 = arith.constant dense<0.000000e+00> : vector<1024x2048xf32>
    %dot_general3A_35 = tpu.matmul %get3A_30, %get3A_33, %dot_general3A_34 {dimension_numbers = #tpu.dot_dimension_numbers<[1], [0], [0], [1], [0, 0, 1, 1], [], []>, transpose_lhs_hint = false} : vector<1024x13xf32>, vector<13x2048xf32>, vector<1024x2048xf32> -> vector<1024x2048xf32>
    %add3A_36 = arith.addf %add3A_27, %dot_general3A_35 : vector<1024x2048xf32>
    %get3A_37 = arith.constant 0 : index
    %get3A_38 = arith.constant 0 : index
    %get3A_39 = vector.load %arg6[%get3A_37, %get3A_38] : memref<1x2048xf32, #tpu.memory_space<vmem>>, vector<1x2048xf32>
    %add3A_40 = vector.broadcast %get3A_39 : vector<1x2048xf32> to vector<1024x2048xf32>
    %add3A_41 = arith.addf %add3A_36, %add3A_40 : vector<1024x2048xf32>
    %max3A = arith.constant 0.000000e+00 : f32
    %max3A_42 = vector.broadcast %max3A : f32 to vector<1024x2048xf32>
    %max3A_43 = arith.maximumf %add3A_41, %max3A_42 : vector<1024x2048xf32>
    %convert_element_type3A_44 = arith.truncf %max3A_43 : vector<1024x2048xf32> to vector<1024x2048xbf16>
    %get3A_45 = arith.constant 0 : index
    %get3A_46 = arith.constant 0 : index
    %get3A_47 = vector.load %arg7[%get3A_45, %get3A_46] : memref<2048x1024xf32, #tpu.memory_space<vmem>>, vector<2048x1024xf32>
    %convert_element_type3A_48 = arith.truncf %get3A_47 : vector<2048x1024xf32> to vector<2048x1024xbf16>
    %dot_general3A_49 = arith.constant dense<0.000000e+00> : vector<1024x1024xf32>
    %dot_general3A_50 = tpu.matmul %convert_element_type3A_44, %convert_element_type3A_48, %dot_general3A_49 {dimension_numbers = #tpu.dot_dimension_numbers<[1], [0], [0], [1], [0, 0, 1, 1], [], []>, transpose_lhs_hint = false} : vector<1024x2048xbf16>, vector<2048x1024xbf16>, vector<1024x1024xf32> -> vector<1024x1024xf32>
    %get3A_51 = arith.constant 0 : index
    %get3A_52 = arith.constant 0 : index
    %get3A_53 = vector.load %arg8[%get3A_51, %get3A_52] : memref<1x1024xf32, #tpu.memory_space<vmem>>, vector<1x1024xf32>
    %add3A_54 = vector.broadcast %get3A_53 : vector<1x1024xf32> to vector<1024x1024xf32>
    %add3A_55 = arith.addf %dot_general3A_50, %add3A_54 : vector<1024x1024xf32>
    %max3A_56 = arith.constant 0.000000e+00 : f32
    %max3A_57 = vector.broadcast %max3A_56 : f32 to vector<1024x1024xf32>
    %max3A_58 = arith.maximumf %add3A_55, %max3A_57 : vector<1024x1024xf32>
    %get3A_59 = arith.constant 0 : index
    %get3A_60 = arith.constant 0 : index
    %get3A_61 = vector.load %arg9[%get3A_59, %get3A_60] : memref<1024x1xf32, #tpu.memory_space<vmem>>, vector<1024x1xf32>
    %dot_general3A_62 = arith.constant dense<0.000000e+00> : vector<1024x1xf32>
    %dot_general3A_63 = tpu.matmul %max3A_58, %get3A_61, %dot_general3A_62 {dimension_numbers = #tpu.dot_dimension_numbers<[1], [0], [0], [1], [0, 0, 1, 1], [], []>, transpose_lhs_hint = false} : vector<1024x1024xf32>, vector<1024x1xf32>, vector<1024x1xf32> -> vector<1024x1xf32>
    %get3A_64 = arith.constant 0 : index
    %get3A_65 = arith.constant 0 : index
    %get3A_66 = vector.load %arg10[%get3A_64, %get3A_65] : memref<1x1xf32, #tpu.memory_space<vmem>>, vector<1x1xf32>
    %get3A_67 = vector.extract %get3A_66[0, 0] : f32 from vector<1x1xf32>
    %add3A_68 = vector.broadcast %get3A_67 : f32 to vector<1024x1xf32>
    %add3A_69 = arith.addf %dot_general3A_63, %add3A_68 : vector<1024x1xf32>
    %swap3A = arith.constant 0 : index
    %swap3A_70 = arith.constant 0 : index
    %swap3A_71 = vector.load %arg11[%swap3A, %swap3A_70] : memref<1024x1xf32, #tpu.memory_space<vmem>>, vector<1024x1xf32>
    tpu.vector_store %arg11[%swap3A, %swap3A_70], %add3A_69 {strides = array<i32>} : memref<1024x1xf32, #tpu.memory_space<vmem>>, vector<1024x1xf32>,
    return
  }
  func.func @transform_0(%arg0: i32) -> (i32, i32) {
    %c0_i32 = arith.constant 0 : i32
    %c0_i32_0 = arith.constant 0 : i32
    return %arg0, %c0_i32 : i32, i32
  }
  func.func @transform_1(%arg0: i32) -> (i32, i32) {
    %c0_i32 = arith.constant 0 : i32
    %c0_i32_0 = arith.constant 0 : i32
    return %arg0, %c0_i32 : i32, i32
  }
  func.func @transform_2(%arg0: i32) -> (i32, i32) {
    %c0_i32 = arith.constant 0 : i32
    %c0_i32_0 = arith.constant 0 : i32
    return %arg0, %c0_i32 : i32, i32
  }
  func.func @transform_3(%arg0: i32) -> (i32, i32) {
    %c0_i32 = arith.constant 0 : i32
    %c0_i32_0 = arith.constant 0 : i32
    return %arg0, %c0_i32 : i32, i32
  }
  func.func @transform_4(%arg0: i32) -> (i32, i32) {
    %c0_i32 = arith.constant 0 : i32
    %c0_i32_0 = arith.constant 0 : i32
    %c0_i32_1 = arith.constant 0 : i32
    return %c0_i32, %c0_i32_0 : i32, i32
  }
  func.func @transform_5(%arg0: i32) -> (i32, i32) {
    %c0_i32 = arith.constant 0 : i32
    %c0_i32_0 = arith.constant 0 : i32
    %c0_i32_1 = arith.constant 0 : i32
    return %c0_i32, %c0_i32_0 : i32, i32
  }
  func.func @transform_6(%arg0: i32) -> (i32, i32) {
    %c0_i32 = arith.constant 0 : i32
    %c0_i32_0 = arith.constant 0 : i32
    %c0_i32_1 = arith.constant 0 : i32
    return %c0_i32, %c0_i32_0 : i32, i32
  }
  func.func @transform_7(%arg0: i32) -> (i32, i32) {
    %c0_i32 = arith.constant 0 : i32
    %c0_i32_0 = arith.constant 0 : i32
    %c0_i32_1 = arith.constant 0 : i32
    return %c0_i32, %c0_i32_0 : i32, i32
  }
  func.func @transform_8(%arg0: i32) -> (i32, i32) {
    %c0_i32 = arith.constant 0 : i32
    %c0_i32_0 = arith.constant 0 : i32
    %c0_i32_1 = arith.constant 0 : i32
    return %c0_i32, %c0_i32_0 : i32, i32
  }
  func.func @transform_9(%arg0: i32) -> (i32, i32) {
    %c0_i32 = arith.constant 0 : i32
    %c0_i32_0 = arith.constant 0 : i32
    %c0_i32_1 = arith.constant 0 : i32
    return %c0_i32, %c0_i32_0 : i32, i32
  }
  func.func @transform_10(%arg0: i32) -> (i32, i32) {
    %c0_i32 = arith.constant 0 : i32
    %c0_i32_0 = arith.constant 0 : i32
    return %arg0, %c0_i32 : i32, i32
  }
}

</mosaic_0001>

<sc_bundles>
// kernel: kernel.4.cloned.1.call-start
scs
__scs_entry_jumppad:
0x0: {  	(pc) =	sbr.rel $0x88, $3  }
0x1: {  	(tag) =	ssettag $0x0;
	lr =	simm.s32 $0x1  }
0x2: {  	[smem:$0x3F95] =	sst lr;
	_ =	strace $0xD0000000  }
0x3: {  	_ = 	snop  }
0x4: {  	_ = 	snop  }
0x5: {  	_ = 	snop  }
0x6: {  	_ = 	snop  }
0x7: {  	_ = 	snop  }
__scs_overlays_trampoline_lowered:
0x8: {  	[smem:$0x3FA4] =	sst s0  }
0x9: {  	[smem:$0x3FA5] =	sst s1  }
0xa: {  	[smem:$0x3FA6] =	sst s2  }
0xb: {  	[smem:$0x3FA7] =	sst s3  }
0xc: {  	[smem:$0x3FA8] =	sst s4  }
0xd: {  	[smem:$0x3FA9] =	sst s5  }
0xe: {  	[smem:$0x3FAA] =	sst s6  }
0xf: {  	[smem:$0x3FAB] =	sst s7  }
0x10: {  	[smem:$0x3FAC] =	sst s8  }
0x11: {  	[smem:$0x3FAD] =	sst s9;
	s0 =	simm.s32 @!p0 $0x0  }
0x12: {  	s1 =	sld [smem:$0x3F93];
	s0 =	simm.s32 @p0 $0x1  }
0x13: {  	[smem:$0x3FAE] =	sst s0;
	s0 =	simm.s32 @!p1 $0x0  }
0x14: {  	s2 =	sld [smem:$0x3F92];
	s0 =	simm.s32 @p1 $0x1  }
0x15: {  	[smem:$0x3FAF] =	sst s0;
	s0 =	simm.s32 @!p2 $0x0  }
0x16: {  	s3 =	sld [smem:$0x3FDB];
	s0 =	simm.s32 @p2 $0x1  }
0x17: {  	s4 =	simm.s32 $0x1BF5;
	[smem:$0x3FB1] =	sst s0  }
0x18: {  	s0 =	sld [smem:$0x3F94];
	_ =	swait.ge [sflag:s4], $0x0  }
0x19: {  	s7 =	sld [smem:$0x3F95]  }
0x1a: {  	s8 =	sadd.s32 $0xFFFFE003, lr  }
0x1b: {  	s9 =	sadd.s32 $0xFFFFFEF7, lr;
	s5 =	simm.s32 $0xFFFFFFFF;
	p2 =	slt.u32 s8, $0xFFFFF086  }
0x1c: {  	p1 =	slt.u32 s9, $0xF7A;
	s5 =	simm.s32 @!p2 $0x0  }
0x1d: {  	s5 =	simm.s32 @p1 $0x1;
	p0 =	seq.s32 s7, s2  }
0x1e: {  	s7 =	smul.u32 @!p0 $0xF7A, s2;
	p2 =	seq.s32 @!p0 s5, $0x0  }
0x1f: {  	s9 =	smul.u32 $0xF7A, s1;
	s8 =	simm.s32 @!p0 $0x1BF5;
	p2 =	por !p2, p0  }
0x20: {  	[sflag:s8] =	ssyncset.s32 @!p0 $0xFFFFF086;
	s6 =	sadd.s32 @!p0 s3, s7;
	s7 =	simm.s32 @!p0 $0x108  }
0x21: {  	s3 =	sadd.s32 s3, s9;
	s6 =	sadd.s32 @!p0 $0x88, s6;
	s7 =	simm.s32 @p2 $0x1082  }
0x22: {  	[simem:s7], [sflag:s8] =	dma.local @!p0 [hbm:s6], $0xF7A  }
0x23: {  	s9 =	sor.u32 $0xD0000000, s2;
	s6 =	simm.s32 $0x108;
	_ =	swait.ge @!p0 [sflag:s8], $0x0  }
0x24: {  	s3 =	sadd.s32 $0x88, s3;
	s6 =	simm.s32 @!p1 $0x1082;
	[sflag:s4] =	ssyncset.s32 $0xFFFFF086  }
0x25: {  	[simem:s6], [sflag:s4] =	dma.local [hbm:s3], $0xF7A  }
0x26: {  	[smem:$0x3F95] =	sst s1;
	(tag) =	ssettag s2;
	_ =	strace s9  }
0x27: {  	s1 =	sld [smem:$0x3FA5]  }
0x28: {  	s2 =	sld [smem:$0x3FA6]  }
0x29: {  	s4 =	sld [smem:$0x3FA8]  }
0x2a: {  	p0 =	seq.s32 s5, $0x0;
	s5 =	sld [smem:$0x3FA9]  }
0x2b: {  	s6 =	sld [smem:$0x3FAA]  }
0x2c: {  	s7 =	sld [smem:$0x3FAB]  }
0x2d: {  	s3 =	simm.s32 $0x108;
	s8 =	sld [smem:$0x3FAC]  }
0x2e: {  	s3 =	simm.s32 @!p0 $0x1082;
	s9 =	sld [smem:$0x3FAD]  }
0x2f: {  	lr =	sadd.s32 s0, s3;
	s0 =	sld [smem:$0x3FA4]  }
0x30: {  	s3 =	sld [smem:$0x3FA7]  }
0x31: {  	[smem:$0x3FB0] =	sst s10  }
0x32: {  	s10 =	sld [smem:$0x3FAE];
	_ =	sdelay $0x3  }
0x33: {  	p0 =	seq.s32 s10, $0x1;
	s10 =	sld [smem:$0x3FB0];
	_ =	sdelay $0x3  }
0x34: {  	[smem:$0x3FB0] =	sst s10  }
0x35: {  	s10 =	sld [smem:$0x3FAF];
	_ =	sdelay $0x3  }
0x36: {  	p1 =	seq.s32 s10, $0x1;
	s10 =	sld [smem:$0x3FB0];
	_ =	sdelay $0x3  }
0x37: {  	[smem:$0x3FB0] =	sst s10  }
0x38: {  	s10 =	sld [smem:$0x3FB1]  }
0x39: {  	_ = 	snop;
	(pc) =	sbr.ind lr, $3  }
0x3a: {  	_ = 	snop  }
0x3b: {  	_ = 	snop  }
0x3c: {  	p2 =	seq.s32 s10, $0x1;
	s10 =	sld [smem:$0x3FB0]  }
0x3d: {  	_ =	shalt  }
0x3e: {  	_ =	shalt  }
0x3f: {  	_ =	shalt  }
0x40: {  	_ =	shalt  }
0x41: {  	_ =	shalt  }
0x42: {  	_ =	shalt  }
0x43: {  	_ =	shalt  }
0x44: {  	_ =	shalt  }
0x45: {  	_ =	shalt  }
0x46: {  	_ =	shalt  }
0x47: {  	_ =	shalt  }
0x48: {  	_ =	shalt  }
0x49: {  	_ =	shalt  }
0x4a: {  	_ =	shalt  }
0x4b: {  	_ =	shalt  }
0x4c: {  	_ =	shalt  }
0x4d: {  	_ =	shalt  }
0x4e: {  	_ =	shalt  }
0x4f: {  	_ =	shalt  }
0x50: {  	_ =	shalt  }
0x51: {  	_ =	shalt  }
0x52: {  	_ =	shalt  }
0x53: {  	_ =	shalt  }
0x54: {  	_ =	shalt  }
0x55: {  	_ =	shalt  }
0x56: {  	_ =	shalt  }
0x57: {  	_ =	shalt  }
0x58: {  	_ =	shalt  }
0x59: {  	_ =	shalt  }
0x5a: {  	_ =	shalt  }
0x5b: {  	_ =	shalt  }
0x5c: {  	_ =	shalt  }
0x5d: {  	_ =	shalt  }
0x5e: {  	_ =	shalt  }
0x5f: {  	_ =	shalt  }
0x60: {  	_ =	shalt  }
0x61: {  	_ =	shalt  }
0x62: {  	_ =	shalt  }
0x63: {  	_ =	shalt  }
0x64: {  	_ =	shalt  }
0x65: {  	_ =	shalt  }
0x66: {  	_ =	shalt  }
0x67: {  	_ =	shalt  }
0x68: {  	_ =	shalt  }
0x69: {  	_ =	shalt  }
0x6a: {  	_ =	shalt  }
0x6b: {  	_ =	shalt  }
0x6c: {  	_ =	shalt  }
0x6d: {  	_ =	shalt  }
0x6e: {  	_ =	shalt  }
0x6f: {  	_ =	shalt  }
0x70: {  	_ =	shalt  }
0x71: {  	_ =	shalt  }
0x72: {  	_ =	shalt  }
0x73: {  	_ =	shalt  }
0x74: {  	_ =	shalt  }
0x75: {  	_ =	shalt  }
0x76: {  	_ =	shalt  }
0x77: {  	_ =	shalt  }
0x78: {  	_ =	shalt  }
0x79: {  	_ =	shalt  }
0x7a: {  	_ =	shalt  }
0x7b: {  	_ =	shalt  }
0x7c: {  	_ =	shalt  }
0x7d: {  	_ =	shalt  }
0x7e: {  	_ =	shalt  }
0x7f: {  	_ =	shalt  }
0x80: {  	_ =	shalt  }
0x81: {  	_ =	shalt  }
0x82: {  	_ =	shalt  }
0x83: {  	_ =	shalt  }
0x84: {  	_ =	shalt  }
0x85: {  	_ =	shalt  }
0x86: {  	_ =	shalt  }
0x87: {  	_ =	shalt  }
.Lfunc_end0:
.L_simem_size_0:
called_computation_lowered:
.L_overlay_start_0:
0x88: {  	s2 =	sld [smem:$0x3FD9]  }
0x89: {  	s3 =	sld [smem:$0x3FFE];
	_ =	sdelay $0x1  }
0x8a: {  	s1 =	srdreg.scid  }
0x8b: {  	s0 =	sand.u32 $0x1, s1  }
0x8c: {  	s17 =	sshll.u32 s0, $0xA;
	s2 =	sadd.s32 s3, s2  }
0x8d: {  	s2 =	sadd.s32 s2, s17  }
0x8e: {  	[smem:$0x3FBC] =	sst s2  }
0x8f: {  	_ = 	snop  }
0x90: {  	s2 =	sld [smem:$0x3FC6]  }
0x91: {  	s18 =	sld [smem:$0x3FC5]  }
0x92: {  	s4 =	sld [smem:$0x3FD0];
	(tm) =	ssettm $0x1  }
0x93: {  	s5 =	sld [smem:$0x3FFB];
	_ =	sdelay $0x3  }
0x94: {  	_ =	strace s5  }
0x95: {  	s5 =	sld [smem:$0x3FFC];
	_ =	sdelay $0x3  }
0x96: {  	_ =	strace s5  }
0x97: {  	s5 =	sld [smem:$0x3FFD];
	_ =	sdelay $0x3  }
0x98: {  	_ =	strace s5  }
0x99: {  	_ =	strace $0x8FFFFFFF  }
0x9a: {  	s19 =	sld [smem:$0x3FDB];
	_ =	sdelay $0x1  }
0x9b: {  	s6 =	simm.s32 $_scs_section_size  }
0x9c: {  	s7 =	simm.s32 $_size__tile_overlayer_lowered;
	s8 =	simm.s32 $_tile_overlayer_lowered  }
0x9d: {  	s22 =	simm.s32 $0x1BFF;
	s21 =	sshll.u32 s8, $0x1;
	s5 =	sadd.s32 s6, s19  }
0x9e: {  	s9 =	simm.s32 $0x0;
	s20 =	sshll.u32 s7, $0x1;
	s7 =	sadd.s32 s21, s5  }
0x9f: {  	[timem:s9], [sflag:s22] =	dma.local [hbm:s7], s20  }
0xa0: {  	_ =	swait.ge [sflag:s22], s20  }
0xa1: {  	s6 =	ssub.s32 $0x0, s20;
	[sflag:s22] =	ssyncset.done $0x0  }
0xa2: {  	[sflag:s22] =	ssyncadd.s32 s6;
	_ =	sdelay $0x1  }
0xa3: {  	s23 =	simm.s32 $0x1B8B  }
0xa4: {  	_ =	swait.ge [sflag:s23], $0x1  }
0xa5: {  	[sflag:s23] =	ssyncset.done $0x0  }
0xa6: {  	s25 =	simm.s32 $0x1B8E;
	s24 =	sld [smem:$0x3FFE];
	[sflag:s23] =	ssyncadd.s32 $0xFFFFFFFF  }
0xa7: {  	s26 =	simm.s32 $execute0_lowered;
	[smem:$0x3FD2] =	sst s25  }
0xa8: {  	s7 =	sshll.u32 s26, $0x1;
	_ =	strace $0x80000046;
	[dreg:$0x1] =	wrdreg $0xFFFFFFFF  }
0xa9: {  	s28 =	simm.s32 $_size_execute0_lowered;
	s5 =	sadd.s32 s5, s7;
	[dreg:$0x0] =	wrdreg $0x0  }
0xaa: {  	s7 =	sshll.u32 s28, $0x1;
	[dreg:$0x2] =	wrdreg s5  }
0xab: {  	[dreg:$0x3] =	wrdreg s7  }
0xac: {  	[dreg:$0x4] =	wrdreg $0xC0  }
0xad: {  	_ =	task [dreg:s9], $0x5FFFF  }
0xae: {  	[dreg:$0x1] =	wrdreg $0xFFFFFFFF  }
0xaf: {  	[dreg:$0x0] =	wrdreg $0x60  }
0xb0: {  	[dreg:$0x2] =	wrdreg s24  }
0xb1: {  	[dreg:$0x3] =	wrdreg s4  }
0xb2: {  	[dreg:$0x4] =	wrdreg s2  }
0xb3: {  	[dreg:$0x5] =	wrdreg s18  }
0xb4: {  	[dreg:$0x6] =	wrdreg $0x9  }
0xb5: {  	_ =	task.clear_ibuf [dreg:s9], $0x7FFFF;
	_ =	strace $0x90000046  }
0xb6: {  	s29 =	simm.s32 $0x9;
	_ =	strace $0x80000048  }
0xb7: {  	_ =	swait.ge [sflag:s29], $0x1  }
0xb8: {  	[sflag:s29] =	ssyncadd.s32 $0xFFFFFFFF  }
0xb9: {  	_ =	strace $0x90000048  }
0xba: {  	_ =	sfence  }
0xbb: {  	s30 =	sld [smem:$0x0];
	_ =	sdelay $0x2  }
0xbc: {  	s31 =	sshll.u32 s1, $0xD;
	s1 =	sshrl.u32 s1, $0x2  }
0xbd: {  	s3 =	sand.u32 $0x4000, s31;
	s1 =	sadd.s32 s1, s30  }
0xbe: {  	s0 =	sor.u32 s3, s0;
	s1 =	sshll.u32 s1, $0x11  }
0xbf: {  	s0 =	sor.u32 s1, s0  }
0xc0: {  	s0 =	sadd.s32 $0x8F2B, s0  }
0xc1: {  	[sflag:s0] =	ssyncadd.remote.s32 $0x1  }
0xc2: {  	_ =	sfence.sel $0xFFFF  }
0xc3: {  	[dreg:$0x0] =	wrdreg $0xFFFFFFFF;
	(pc) =	sbr.abs _section_cstart, $3  }
0xc4: {  	[dreg:$0x1] =	wrdreg $0xFFFFFFFF  }
0xc5: {  	_ =	task.clear_ibuf [dreg:s9], $0x2FFFF;
	_ =	strace $0x9FFFFFFF  }
0xc6: {  	(tm) =	ssettm $0x7FFFFFFF  }
0xc7: {  	_ =	shalt  }
tec
execute0_lowered:
.L_overlay_start_1:
0x0: {  	(tag) =	ssettag $0x1  }
0x1: {  	s10 =	rddreg [dreg:$0x0]  }
0x2: {  	s0 =	rddreg [dreg:$0x1]  }
0x3: {  	s1 =	rddreg [dreg:$0x2]  }
0x4: {  	s5 =	rddreg [dreg:$0x3]  }
0x5: {  	s2 =	srdreg.scid;
	[dreg:$0x5] =	wrdreg s1  }
0x6: {  	[dreg:$0x6] =	wrdreg s5;
	s1 =	sand.u32 $0x1, s2;
	s2 =	simm.s32 $0x0  }
0x7: {  	s12 =	simm.s32 $0x180;
	[smem:$0x7FF] =	sst s2  }
0x8: {  	s13 =	simm.s32 $0x9600;
	_ =	strace $0x80000047;
	[dreg:$0xd] =	wrdreg s12  }
0x9: {  	s14 =	simm.s32 $0x200;
	[dreg:$0xe] =	wrdreg s13  }
0xa: {  	s15 =	simm.s32 $0x9E00;
	[dreg:$0xf] =	wrdreg s14  }
0xb: {  	s16 =	simm.s32 $0x280;
	[dreg:$0x10] =	wrdreg s15  }
0xc: {  	s17 =	simm.s32 $0xA600;
	[dreg:$0x11] =	wrdreg s16  }
0xd: {  	s18 =	simm.s32 $0x300;
	[dreg:$0x12] =	wrdreg s17  }
0xe: {  	s19 =	simm.s32 $0xAE00;
	[dreg:$0x13] =	wrdreg s18  }
0xf: {  	s20 =	simm.s32 $0x380;
	[dreg:$0x14] =	wrdreg s19  }
0x10: {  	s21 =	simm.s32 $0xB600;
	[dreg:$0x15] =	wrdreg s20  }
0x11: {  	s22 =	simm.s32 $0x400;
	[dreg:$0x16] =	wrdreg s21  }
0x12: {  	s23 =	simm.s32 $0xBE00;
	[dreg:$0x17] =	wrdreg s22  }
0x13: {  	s24 =	simm.s32 $0x480;
	[dreg:$0x18] =	wrdreg s23  }
0x14: {  	s25 =	simm.s32 $0xC600;
	[dreg:$0x19] =	wrdreg s24  }
0x15: {  	s26 =	simm.s32 $0x500;
	[dreg:$0x1a] =	wrdreg s25  }
0x16: {  	s28 =	simm.s32 $0xCE00;
	[dreg:$0x1b] =	wrdreg s26  }
0x17: {  	[dreg:$0x1c] =	wrdreg s28;
	s12 =	simm.s32 $0x780  }
0x18: {  	s13 =	simm.s32 $0xF600;
	[smem:$0x7FA] =	sst s12  }
0x19: {  	s14 =	simm.s32 $0x800;
	[smem:$0x7F4] =	sst s13  }
0x1a: {  	s3 =	stileid.u32;
	s15 =	simm.s32 $0xFE00;
	[smem:$0x7FB] =	sst s14  }
0x1b: {  	s3 =	sshll.u32 s3, $0x1;
	s16 =	simm.s32 $0x880;
	[smem:$0x7F3] =	sst s15  }
0x1c: {  	s3 =	sor.u32 s1, s3;
	s17 =	simm.s32 $0x10600;
	[smem:$0x7FC] =	sst s16  }
0x1d: {  	s4 =	sshll.u32 s3, $0x4;
	s20 =	simm.s32 $0x900;
	[smem:$0x7F2] =	sst s17  }
0x1e: {  	s7 =	sshll.u32 s3, $0xB;
	s0 =	sadd.s32 s0, s4;
	[smem:$0x7FD] =	sst s20  }
0x1f: {  	s6 =	sadd.s32 s4, s10;
	s4 =	simm.s32 $0xD600;
	[dreg:$0x8] =	wrdreg s0  }
0x20: {  	s7 =	sadd.s32 s7, s10;
	s6 =	sadd.s32 $0x1000, s6;
	[dreg:$0x1e] =	wrdreg s4  }
0x21: {  	s8 =	sadd.s32 $0x45200, s7;
	[dreg:$0x7] =	wrdreg s6  }
0x22: {  	s5 =	smul.u32 $0x1A0, s3;
	s9 =	sadd.s32 $0x55200, s7;
	[dreg:$0xa] =	wrdreg s8  }
0x23: {  	s3 =	smul.u32 $0x1A00, s3;
	s7 =	simm.s32 $0x680;
	[dreg:$0xb] =	wrdreg s9  }
0x24: {  	s5 =	sadd.s32 s5, s10;
	[smem:$0x7F8] =	sst s7  }
0x25: {  	s3 =	sadd.s32 s3, s10;
	s6 =	sadd.s32 $0x1200, s5;
	s19 =	rddreg [dreg:$0x8]  }
0x26: {  	s11 =	sadd.s32 $0x11200, s3;
	[dreg:$0x9] =	wrdreg s6  }
0x27: {  	s3 =	simm.s32 $0x580;
	[dreg:$0xc] =	wrdreg s11  }
0x28: {  	s5 =	simm.s32 $0x600;
	[dreg:$0x1d] =	wrdreg s3  }
0x29: {  	s8 =	simm.s32 $0xE600;
	[dreg:$0x1f] =	wrdreg s5  }
0x2a: {  	s9 =	simm.s32 $0x700;
	[smem:$0x7F6] =	sst s8  }
0x2b: {  	[smem:$0x7F9] =	sst s9  }
0x2c: {  	s6 =	simm.s32 $0xDE00;
	s18 =	rddreg [dreg:$0x7]  }
0x2d: {  	s11 =	simm.s32 $0xEE00;
	[smem:$0x7F7] =	sst s6  }
0x2e: {  	[tilespmem:s2], [sflag:$0x1] =	stream.linear.gather [hbm4b:s18+s2], $0x80, $0x38;
	[tilespmem:$0x15E00] =	vst v63  }
0x2f: {  	s5 =	simm.s32 $0x80;
	[smem:$0x7F5] =	sst s11  }
0x30: {  	[tilespmem:s5], [sflag:$0x2] =	stream.linear.gather [hbm4b:s19+s2], $0x80, $0x38;
	[tilespmem:$0x15E00] =	vst v63  }
0x31: {  	s7 =	simm.s32 $0x100;
	s3 =	simm.s32 $0x1;
	s21 =	rddreg [dreg:$0x9]  }
0x32: {  	[tilespmem:s7], [sflag:$0x3] =	stream.linear.gather [hbm4b:s21+s2], $0xD00, $0x38;
	[tilespmem:$0x15E00] =	vst v63  }
0x33: {  	_ =	swait.ge [sflag:s3], $0x80  }
0x34: {  	s4 =	simm.s32 $0x2;
	[sflag:s3] =	ssyncset.done $0x0  }
0x35: {  	s8 =	simm.s32 $0xE00;
	s22 =	rddreg [dreg:$0x5];
	[sflag:s3] =	ssyncadd.s32 $0xFFFFFF80  }
0x36: {  	[tilespmem:s8], [sflag:$0x1] =	stream.indirect.gather [hbm4b:s22+s5], $0x80, s2, s5, $0xb8;
	[tilespmem:$0x15E00] =	vst v63  }
0x37: {  	_ =	swait.ge [sflag:s4], $0x80  }
0x38: {  	s9 =	simm.s32 $0x4E00;
	[sflag:s4] =	ssyncset.done $0x0  }
0x39: {  	s6 =	simm.s32 $0x3;
	s23 =	rddreg [dreg:$0x6];
	[sflag:s4] =	ssyncadd.s32 $0xFFFFFF80  }
0x3a: {  	[tilespmem:s9], [sflag:$0x2] =	stream.indirect.gather [hbm4b:s23+s5], $0x80, s5, s5, $0xb8;
	[tilespmem:$0x15E00] =	vst v63  }
0x3b: {  	_ =	swait.ge [sflag:s6], $0xD00  }
0x3c: {  	s0 =	sld [smem:$0x7F2]  }
0x3d: {  	s12 =	sld [smem:$0x7F3]  }
0x3e: {  	s13 =	sld [smem:$0x7F4]  }
0x3f: {  	s14 =	sld [smem:$0x7F5]  }
0x40: {  	s15 =	sld [smem:$0x7F6]  }
0x41: {  	s16 =	sld [smem:$0x7F7]  }
0x42: {  	s17 =	rddreg [dreg:$0x1e]  }
0x43: {  	s18 =	rddreg [dreg:$0x1c]  }
0x44: {  	s19 =	rddreg [dreg:$0x1a]  }
0x45: {  	s20 =	rddreg [dreg:$0xf]  }
0x46: {  	s21 =	rddreg [dreg:$0xd]  }
0x47: {  	s22 =	rddreg [dreg:$0xe]  }
0x48: {  	s23 =	rddreg [dreg:$0x10]  }
0x49: {  	s11 =	sadd.s32 $0x4600, s10;
	[sflag:s6] =	ssyncset.done $0x0;
	s24 =	rddreg [dreg:$0x11]  }
0x4a: {  	s10 =	simm.s32 $0x8E00;
	s25 =	rddreg [dreg:$0x12];
	[sflag:s6] =	ssyncadd.s32 $0xFFFFF300  }
0x4b: {  	[tilespmem:s10], [sflag:$0x3] =	stream.indirect.gather [hbm4b:s11+s5], $0x10, s7, s5, $0xb8;
	[tilespmem:$0x15E00] =	vst v63  }
0x4c: {  	s26 =	rddreg [dreg:$0x14]  }
0x4d: {  	[tilespmem:s22], [sflag:$0x3] =	stream.indirect.gather [hbm4b:s11+s5], $0x10, s21, s5, $0xb8;
	[tilespmem:$0x15E00] =	vst v63  }
0x4e: {  	s28 =	rddreg [dreg:$0x13]  }
0x4f: {  	[tilespmem:s23], [sflag:$0x3] =	stream.indirect.gather [hbm4b:s11+s5], $0x10, s20, s5, $0xb8;
	[tilespmem:$0x15E00] =	vst v63  }
0x50: {  	s22 =	rddreg [dreg:$0x19]  }
0x51: {  	[tilespmem:s25], [sflag:$0x3] =	stream.indirect.gather [hbm4b:s11+s5], $0x10, s24, s5, $0xb8;
	[tilespmem:$0x15E00] =	vst v63  }
0x52: {  	s24 =	rddreg [dreg:$0x16]  }
0x53: {  	s25 =	rddreg [dreg:$0x15]  }
0x54: {  	[tilespmem:s26], [sflag:$0x3] =	stream.indirect.gather [hbm4b:s11+s5], $0x10, s28, s5, $0xb8;
	[tilespmem:$0x15E00] =	vst v63  }
0x55: {  	s26 =	rddreg [dreg:$0x18]  }
0x56: {  	[tilespmem:s24], [sflag:$0x3] =	stream.indirect.gather [hbm4b:s11+s5], $0x10, s25, s5, $0xb8;
	[tilespmem:$0x15E00] =	vst v63  }
0x57: {  	s28 =	rddreg [dreg:$0x17]  }
0x58: {  	[tilespmem:s26], [sflag:$0x3] =	stream.indirect.gather [hbm4b:s11+s5], $0x10, s28, s5, $0xb8;
	[tilespmem:$0x15E00] =	vst v63  }
0x59: {  	s24 =	rddreg [dreg:$0x1b]  }
0x5a: {  	[tilespmem:s19], [sflag:$0x3] =	stream.indirect.gather [hbm4b:s11+s5], $0x10, s22, s5, $0xb8;
	[tilespmem:$0x15E00] =	vst v63  }
0x5b: {  	s25 =	rddreg [dreg:$0x1d]  }
0x5c: {  	[tilespmem:s18], [sflag:$0x3] =	stream.indirect.gather [hbm4b:s11+s5], $0x10, s24, s5, $0xb8;
	[tilespmem:$0x15E00] =	vst v63  }
0x5d: {  	s26 =	rddreg [dreg:$0x1f]  }
0x5e: {  	[tilespmem:s17], [sflag:$0x3] =	stream.indirect.gather [hbm4b:s11+s5], $0x10, s25, s5, $0xb8;
	[tilespmem:$0x15E00] =	vst v63  }
0x5f: {  	s28 =	sld [smem:$0x7F8]  }
0x60: {  	[tilespmem:s16], [sflag:$0x3] =	stream.indirect.gather [hbm4b:s11+s5], $0x10, s26, s5, $0xb8;
	[tilespmem:$0x15E00] =	vst v63  }
0x61: {  	s18 =	sld [smem:$0x7F9]  }
0x62: {  	[tilespmem:s15], [sflag:$0x3] =	stream.indirect.gather [hbm4b:s11+s5], $0x10, s28, s5, $0xb8;
	[tilespmem:$0x15E00] =	vst v63  }
0x63: {  	s19 =	sld [smem:$0x7FA]  }
0x64: {  	[tilespmem:s14], [sflag:$0x3] =	stream.indirect.gather [hbm4b:s11+s5], $0x10, s18, s5, $0xb8;
	[tilespmem:$0x15E00] =	vst v63  }
0x65: {  	s20 =	sld [smem:$0x7FB]  }
0x66: {  	[tilespmem:s13], [sflag:$0x3] =	stream.indirect.gather [hbm4b:s11+s5], $0x10, s19, s5, $0xb8;
	[tilespmem:$0x15E00] =	vst v63  }
0x67: {  	s21 =	sld [smem:$0x7FC]  }
0x68: {  	[tilespmem:s12], [sflag:$0x3] =	stream.indirect.gather [hbm4b:s11+s5], $0x10, s20, s5, $0xb8;
	[tilespmem:$0x15E00] =	vst v63  }
0x69: {  	s22 =	sld [smem:$0x7FD]  }
0x6a: {  	[tilespmem:s0], [sflag:$0x3] =	stream.indirect.gather [hbm4b:s11+s5], $0x10, s21, s5, $0xb8;
	[tilespmem:$0x15E00] =	vst v63  }
0x6b: {  	s23 =	simm.s32 $0x10E00  }
0x6c: {  	[tilespmem:s23], [sflag:$0x3] =	stream.indirect.gather [hbm4b:s11+s5], $0x10, s22, s5, $0xb8;
	[tilespmem:$0x15E00] =	vst v63  }
0x6d: {  	s24 =	simm.s32 $0x980;
	s25 =	simm.s32 $0x11600  }
0x6e: {  	[tilespmem:s25], [sflag:$0x3] =	stream.indirect.gather [hbm4b:s11+s5], $0x10, s24, s5, $0xb8;
	[tilespmem:$0x15E00] =	vst v63  }
0x6f: {  	s26 =	simm.s32 $0xA00;
	s28 =	simm.s32 $0x11E00  }
0x70: {  	[tilespmem:s28], [sflag:$0x3] =	stream.indirect.gather [hbm4b:s11+s5], $0x10, s26, s5, $0xb8;
	[tilespmem:$0x15E00] =	vst v63  }
0x71: {  	s14 =	simm.s32 $0x12600;
	s13 =	simm.s32 $0xA80  }
0x72: {  	[tilespmem:s14], [sflag:$0x3] =	stream.indirect.gather [hbm4b:s11+s5], $0x10, s13, s5, $0xb8;
	[tilespmem:$0x15E00] =	vst v63  }
0x73: {  	s16 =	simm.s32 $0x12E00;
	s15 =	simm.s32 $0xB00  }
0x74: {  	[tilespmem:s16], [sflag:$0x3] =	stream.indirect.gather [hbm4b:s11+s5], $0x10, s15, s5, $0xb8;
	[tilespmem:$0x15E00] =	vst v63  }
0x75: {  	s17 =	simm.s32 $0xB80;
	s18 =	simm.s32 $0x13600  }
0x76: {  	[tilespmem:s18], [sflag:$0x3] =	stream.indirect.gather [hbm4b:s11+s5], $0x10, s17, s5, $0xb8;
	[tilespmem:$0x15E00] =	vst v63  }
0x77: {  	s19 =	simm.s32 $0xC00;
	s20 =	simm.s32 $0x13E00  }
0x78: {  	[tilespmem:s20], [sflag:$0x3] =	stream.indirect.gather [hbm4b:s11+s5], $0x10, s19, s5, $0xb8;
	[tilespmem:$0x15E00] =	vst v63  }
0x79: {  	s21 =	simm.s32 $0xC80;
	s22 =	simm.s32 $0x14600;
	s25 =	ssub.s32 $0x2, s1  }
0x7a: {  	[tilespmem:s22], [sflag:$0x3] =	stream.indirect.gather [hbm4b:s11+s5], $0x10, s21, s5, $0xb8;
	[tilespmem:$0x15E00] =	vst v63  }
0x7b: {  	s23 =	simm.s32 $0xD00;
	s24 =	simm.s32 $0x14E00;
	s28 =	sshrl.u32 s25, $0x1  }
0x7c: {  	[tilespmem:s24], [sflag:$0x3] =	stream.indirect.gather [hbm4b:s11+s5], $0x10, s23, s5, $0xb8;
	[tilespmem:$0x15E00] =	vst v63  }
0x7d: {  	s30 =	simm.s32 $0xD80;
	s31 =	simm.s32 $0x15600;
	s0 =	ssub.s32 s25, s28  }
0x7e: {  	[tilespmem:s31], [sflag:$0x3] =	stream.indirect.gather [hbm4b:s11+s5], $0x10, s30, s5, $0xb8;
	[tilespmem:$0x15E00] =	vst v63  }
0x7f: {  	s0 =	smax.u32 s0, $0x1;
	_ =	swait.ge [sflag:s3], $0x4000  }
0x80: {  	p0 =	sne.s32 s0, $0x1;
	[sflag:s3] =	ssyncset.done $0x0  }
.Ltmp0:
0x81: {  	s26 =	rddreg [dreg:$0xa];
	[sflag:s3] =	ssyncadd.s32 $0xFFFFC000;
	(pc) =	sbr.rel @!p0 .LBB2_2-.Ltmp0, $4  }
0x82: {  	[hbm4b:s26+s2] =	stream.linear.scatter [tilespmem:s8], [sflag:$0x1], $0x4000, $0x38;
	[tilespmem:$0x15E00] =	vst v63  }
0x83: {  	_ =	swait.ge [sflag:s4], $0x4000  }
0x84: {  	s29 =	simm.s32 $0x14E00;
	[sflag:s4] =	ssyncset.done $0x0  }
0x85: {  	s1 =	sadd.s32 $0xFFFFFFFF, s0;
	s0 =	rddreg [dreg:$0xb];
	[sflag:s4] =	ssyncadd.s32 $0xFFFFC000  }
.LBB2_1:
0x86: {  	[hbm4b:s0+s2] =	stream.linear.scatter [tilespmem:s9], [sflag:$0x2], $0x4000, $0x38;
	[tilespmem:$0x15E00] =	vst v63  }
0x87: {  	_ =	swait.ge [sflag:s6], $0xD000  }
0x88: {  	[sflag:s6] =	ssyncset.done $0x0  }
0x89: {  	s21 =	rddreg [dreg:$0xc];
	[sflag:s6] =	ssyncadd.s32 $0xFFFF3000  }
0x8a: {  	[hbm4b:s21+s2] =	stream.linear.scatter [tilespmem:s10], [sflag:$0x3], $0xD000, $0x38;
	[tilespmem:$0x15E00] =	vst v63  }
0x8b: {  	_ =	swait.ge [sflag:s3], $0x4000  }
0x8c: {  	[sflag:s3] =	ssyncset.done $0x0  }
0x8d: {  	[sflag:s3] =	ssyncadd.s32 $0xFFFFC000  }
0x8e: {  	_ =	swait.ge [sflag:s4], $0x4000  }
0x8f: {  	[sflag:s4] =	ssyncset.done $0x0  }
0x90: {  	[sflag:s4] =	ssyncadd.s32 $0xFFFFC000  }
0x91: {  	_ =	swait.ge [sflag:s6], $0xD000  }
0x92: {  	[sflag:s6] =	ssyncset.done $0x0  }
0x93: {  	s22 =	rddreg [dreg:$0x7];
	[sflag:s6] =	ssyncadd.s32 $0xFFFF3000  }
0x94: {  	[tilespmem:s2], [sflag:$0x1] =	stream.linear.gather [hbm4b:s22+s2], $0x80, $0x38;
	[tilespmem:$0x15E00] =	vst v63  }
0x95: {  	s12 =	rddreg [dreg:$0x8]  }
0x96: {  	[tilespmem:s5], [sflag:$0x2] =	stream.linear.gather [hbm4b:s12+s2], $0x80, $0x38;
	[tilespmem:$0x15E00] =	vst v63  }
0x97: {  	s23 =	rddreg [dreg:$0x9]  }
0x98: {  	[tilespmem:s7], [sflag:$0x3] =	stream.linear.gather [hbm4b:s23+s2], $0xD00, $0x38;
	[tilespmem:$0x15E00] =	vst v63  }
0x99: {  	_ =	swait.ge [sflag:s3], $0x80  }
0x9a: {  	[sflag:s3] =	ssyncset.done $0x0  }
0x9b: {  	s24 =	rddreg [dreg:$0x5];
	[sflag:s3] =	ssyncadd.s32 $0xFFFFFF80  }
0x9c: {  	[tilespmem:s8], [sflag:$0x1] =	stream.indirect.gather [hbm4b:s24+s5], $0x80, s2, s5, $0xb8;
	[tilespmem:$0x15E00] =	vst v63  }
0x9d: {  	_ =	swait.ge [sflag:s4], $0x80  }
0x9e: {  	[sflag:s4] =	ssyncset.done $0x0  }
0x9f: {  	s25 =	rddreg [dreg:$0x6];
	[sflag:s4] =	ssyncadd.s32 $0xFFFFFF80  }
0xa0: {  	[tilespmem:s9], [sflag:$0x2] =	stream.indirect.gather [hbm4b:s25+s5], $0x80, s5, s5, $0xb8;
	[tilespmem:$0x15E00] =	vst v63  }
0xa1: {  	_ =	swait.ge [sflag:s6], $0xD00  }
0xa2: {  	s0 =	sld [smem:$0x7F2]  }
0xa3: {  	s12 =	sld [smem:$0x7F3]  }
0xa4: {  	s13 =	sld [smem:$0x7F4]  }
0xa5: {  	s14 =	sld [smem:$0x7F5]  }
0xa6: {  	s15 =	sld [smem:$0x7F6]  }
0xa7: {  	s16 =	sld [smem:$0x7F7]  }
0xa8: {  	s17 =	rddreg [dreg:$0x1e]  }
0xa9: {  	s18 =	rddreg [dreg:$0x1c]  }
0xaa: {  	s19 =	rddreg [dreg:$0x1a]  }
0xab: {  	s20 =	rddreg [dreg:$0x18]  }
0xac: {  	s21 =	rddreg [dreg:$0x16]  }
0xad: {  	s22 =	rddreg [dreg:$0x14]  }
0xae: {  	s23 =	rddreg [dreg:$0x11]  }
0xaf: {  	s24 =	rddreg [dreg:$0xf]  }
0xb0: {  	[sflag:s6] =	ssyncset.done $0x0;
	s25 =	rddreg [dreg:$0xd]  }
0xb1: {  	s26 =	rddreg [dreg:$0xe];
	[sflag:s6] =	ssyncadd.s32 $0xFFFFF300  }
0xb2: {  	[tilespmem:s10], [sflag:$0x3] =	stream.indirect.gather [hbm4b:s11+s5], $0x10, s7, s5, $0xb8;
	[tilespmem:$0x15E00] =	vst v63  }
0xb3: {  	s28 =	rddreg [dreg:$0x10]  }
0xb4: {  	[tilespmem:s26], [sflag:$0x3] =	stream.indirect.gather [hbm4b:s11+s5], $0x10, s25, s5, $0xb8;
	[tilespmem:$0x15E00] =	vst v63  }
0xb5: {  	s25 =	rddreg [dreg:$0x12]  }
0xb6: {  	[tilespmem:s28], [sflag:$0x3] =	stream.indirect.gather [hbm4b:s11+s5], $0x10, s24, s5, $0xb8;
	[tilespmem:$0x15E00] =	vst v63  }
0xb7: {  	s26 =	rddreg [dreg:$0x13]  }
0xb8: {  	[tilespmem:s25], [sflag:$0x3] =	stream.indirect.gather [hbm4b:s11+s5], $0x10, s23, s5, $0xb8;
	[tilespmem:$0x15E00] =	vst v63  }
0xb9: {  	s28 =	rddreg [dreg:$0x15]  }
0xba: {  	[tilespmem:s22], [sflag:$0x3] =	stream.indirect.gather [hbm4b:s11+s5], $0x10, s26, s5, $0xb8;
	[tilespmem:$0x15E00] =	vst v63  }
0xbb: {  	s24 =	rddreg [dreg:$0x17]  }
0xbc: {  	[tilespmem:s21], [sflag:$0x3] =	stream.indirect.gather [hbm4b:s11+s5], $0x10, s28, s5, $0xb8;
	[tilespmem:$0x15E00] =	vst v63  }
0xbd: {  	s25 =	rddreg [dreg:$0x19]  }
0xbe: {  	[tilespmem:s20], [sflag:$0x3] =	stream.indirect.gather [hbm4b:s11+s5], $0x10, s24, s5, $0xb8;
	[tilespmem:$0x15E00] =	vst v63  }
0xbf: {  	s26 =	rddreg [dreg:$0x1b]  }
0xc0: {  	[tilespmem:s19], [sflag:$0x3] =	stream.indirect.gather [hbm4b:s11+s5], $0x10, s25, s5, $0xb8;
	[tilespmem:$0x15E00] =	vst v63  }
0xc1: {  	s28 =	rddreg [dreg:$0x1d]  }
0xc2: {  	[tilespmem:s18], [sflag:$0x3] =	stream.indirect.gather [hbm4b:s11+s5], $0x10, s26, s5, $0xb8;
	[tilespmem:$0x15E00] =	vst v63  }
0xc3: {  	s21 =	sld [smem:$0x7F8]  }
0xc4: {  	[tilespmem:s17], [sflag:$0x3] =	stream.indirect.gather [hbm4b:s11+s5], $0x10, s28, s5, $0xb8;
	[tilespmem:$0x15E00] =	vst v63  }
0xc5: {  	s20 =	rddreg [dreg:$0x1f]  }
0xc6: {  	[tilespmem:s16], [sflag:$0x3] =	stream.indirect.gather [hbm4b:s11+s5], $0x10, s20, s5, $0xb8;
	[tilespmem:$0x15E00] =	vst v63  }
0xc7: {  	s22 =	sld [smem:$0x7F9]  }
0xc8: {  	[tilespmem:s15], [sflag:$0x3] =	stream.indirect.gather [hbm4b:s11+s5], $0x10, s21, s5, $0xb8;
	[tilespmem:$0x15E00] =	vst v63  }
0xc9: {  	s23 =	sld [smem:$0x7FA]  }
0xca: {  	[tilespmem:s14], [sflag:$0x3] =	stream.indirect.gather [hbm4b:s11+s5], $0x10, s22, s5, $0xb8;
	[tilespmem:$0x15E00] =	vst v63  }
0xcb: {  	s24 =	sld [smem:$0x7FB]  }
0xcc: {  	[tilespmem:s13], [sflag:$0x3] =	stream.indirect.gather [hbm4b:s11+s5], $0x10, s23, s5, $0xb8;
	[tilespmem:$0x15E00] =	vst v63  }
0xcd: {  	s25 =	sld [smem:$0x7FC]  }
0xce: {  	[tilespmem:s12], [sflag:$0x3] =	stream.indirect.gather [hbm4b:s11+s5], $0x10, s24, s5, $0xb8;
	[tilespmem:$0x15E00] =	vst v63  }
0xcf: {  	s26 =	sld [smem:$0x7FD]  }
0xd0: {  	[tilespmem:s0], [sflag:$0x3] =	stream.indirect.gather [hbm4b:s11+s5], $0x10, s25, s5, $0xb8;
	[tilespmem:$0x15E00] =	vst v63  }
0xd1: {  	s28 =	simm.s32 $0x10E00  }
0xd2: {  	[tilespmem:s28], [sflag:$0x3] =	stream.indirect.gather [hbm4b:s11+s5], $0x10, s26, s5, $0xb8;
	[tilespmem:$0x15E00] =	vst v63  }
0xd3: {  	s13 =	simm.s32 $0x11600;
	s12 =	simm.s32 $0x980  }
0xd4: {  	[tilespmem:s13], [sflag:$0x3] =	stream.indirect.gather [hbm4b:s11+s5], $0x10, s12, s5, $0xb8;
	[tilespmem:$0x15E00] =	vst v63  }
0xd5: {  	s15 =	simm.s32 $0x11E00;
	s14 =	simm.s32 $0xA00  }
0xd6: {  	[tilespmem:s15], [sflag:$0x3] =	stream.indirect.gather [hbm4b:s11+s5], $0x10, s14, s5, $0xb8;
	[tilespmem:$0x15E00] =	vst v63  }
0xd7: {  	s17 =	simm.s32 $0x12600;
	s16 =	simm.s32 $0xA80  }
0xd8: {  	[tilespmem:s17], [sflag:$0x3] =	stream.indirect.gather [hbm4b:s11+s5], $0x10, s16, s5, $0xb8;
	[tilespmem:$0x15E00] =	vst v63  }
0xd9: {  	s19 =	simm.s32 $0x12E00;
	s18 =	simm.s32 $0xB00  }
0xda: {  	[tilespmem:s19], [sflag:$0x3] =	stream.indirect.gather [hbm4b:s11+s5], $0x10, s18, s5, $0xb8;
	[tilespmem:$0x15E00] =	vst v63  }
0xdb: {  	s20 =	simm.s32 $0xB80;
	s21 =	simm.s32 $0x13600  }
0xdc: {  	[tilespmem:s21], [sflag:$0x3] =	stream.indirect.gather [hbm4b:s11+s5], $0x10, s20, s5, $0xb8;
	[tilespmem:$0x15E00] =	vst v63  }
0xdd: {  	s22 =	simm.s32 $0xC00;
	s23 =	simm.s32 $0x13E00  }
0xde: {  	[tilespmem:s23], [sflag:$0x3] =	stream.indirect.gather [hbm4b:s11+s5], $0x10, s22, s5, $0xb8;
	[tilespmem:$0x15E00] =	vst v63  }
0xdf: {  	s24 =	simm.s32 $0xC80;
	s25 =	simm.s32 $0x14600  }
0xe0: {  	[tilespmem:s25], [sflag:$0x3] =	stream.indirect.gather [hbm4b:s11+s5], $0x10, s24, s5, $0xb8;
	[tilespmem:$0x15E00] =	vst v63  }
0xe1: {  	s26 =	simm.s32 $0xD00  }
0xe2: {  	[tilespmem:s29], [sflag:$0x3] =	stream.indirect.gather [hbm4b:s11+s5], $0x10, s26, s5, $0xb8;
	[tilespmem:$0x15E00] =	vst v63  }
0xe3: {  	_ = 	snop  }
0xe4: {  	[tilespmem:s31], [sflag:$0x3] =	stream.indirect.gather [hbm4b:s11+s5], $0x10, s30, s5, $0xb8;
	[tilespmem:$0x15E00] =	vst v63  }
0xe5: {  	_ =	swait.ge [sflag:s3], $0x4000  }
0xe6: {  	p0 =	sne.s32 s1, $0x1;
	[sflag:s3] =	ssyncset.done $0x0  }
.Ltmp1:
0xe7: {  	s28 =	rddreg [dreg:$0xa];
	[sflag:s3] =	ssyncadd.s32 $0xFFFFC000;
	(pc) =	sbr.rel @p0 .LBB2_1-.Ltmp1, $4  }
0xe8: {  	[hbm4b:s28+s2] =	stream.linear.scatter [tilespmem:s8], [sflag:$0x1], $0x4000, $0x38;
	[tilespmem:$0x15E00] =	vst v63  }
0xe9: {  	_ =	swait.ge [sflag:s4], $0x4000  }
0xea: {  	[sflag:s4] =	ssyncset.done $0x0  }
0xeb: {  	s1 =	sadd.s32 $0xFFFFFFFF, s1;
	s0 =	rddreg [dreg:$0xb];
	[sflag:s4] =	ssyncadd.s32 $0xFFFFC000  }
.LBB2_2:
0xec: {  	[hbm4b:s0+s2] =	stream.linear.scatter [tilespmem:s9], [sflag:$0x2], $0x4000, $0x38;
	[tilespmem:$0x15E00] =	vst v63  }
0xed: {  	_ =	swait.ge [sflag:s6], $0xD000  }
0xee: {  	[sflag:s6] =	ssyncset.done $0x0  }
0xef: {  	s30 =	rddreg [dreg:$0xc];
	[sflag:s6] =	ssyncadd.s32 $0xFFFF3000  }
0xf0: {  	[hbm4b:s30+s2] =	stream.linear.scatter [tilespmem:s10], [sflag:$0x3], $0xD000, $0x38;
	[tilespmem:$0x15E00] =	vst v63  }
0xf1: {  	_ =	swait.ge [sflag:s3], $0x4000  }
0xf2: {  	[sflag:s3] =	ssyncset.done $0x0  }
0xf3: {  	[sflag:s3] =	ssyncadd.s32 $0xFFFFC000  }
0xf4: {  	_ =	swait.ge [sflag:s4], $0x4000  }
0xf5: {  	[sflag:s4] =	ssyncset.done $0x0  }
0xf6: {  	[sflag:s4] =	ssyncadd.s32 $0xFFFFC000  }
0xf7: {  	_ =	swait.ge [sflag:s6], $0xD000  }
0xf8: {  	[sflag:s6] =	ssyncset.done $0x0  }
0xf9: {  	[sflag:s6] =	ssyncadd.s32 $0xFFFF3000  }
0xfa: {  	_ =	sfence.sel $0x180000  }
0xfb: {  	[bflag:$0x0] =	sbarrier.arrive $0xFFFF  }
0xfc: {  	_ =	strace $0x90000047  }
0xfd: {  	s31 =	stileid.u32;
	[bflag:$0x2] =	sbarrier.arrive $0xFFFF  }
0xfe: {  	p0 =	sne.s32 s31, $0x0;
	s0 =	rddreg [dreg:$0x4]  }
0xff: {  	s0 =	sadd.s32 @!p0 $0x100000, s0  }
0x100: {  	[sflag:s0] =	ssyncadd.tile.s32 @!p0 $0x1;
	_ =	shalt  }
.Lfunc_end2:
_tile_overlayer_lowered:
.L_overlay_start_2:
0x101: {  	(tag) =	ssettag $0x2  }
0x102: {  	s0 =	rddreg [dreg:$0x0];
	s2 =	stileid.u32  }
0x103: {  	s1 =	rddreg [dreg:$0x1];
	p0 =	sne.s32 s2, $0x0  }
0x104: {  	s3 =	rddreg [dreg:$0x2];
	[bflag:$0x3] =	sbarrier.arrive $0xFFFF;
	s2 =	simm.s32 @!p0 $0x1C04  }
0x105: {  	[timem:s3], [sflag:s2] =	dma.local @!p0 [hbm:s0], s1  }
0x106: {  	s0 =	simm.s32 @!p0 $0x4  }
0x107: {  	_ =	swait.ge @!p0 [sflag:s0], s1  }
0x108: {  	s1 =	ssub.s32 @!p0 $0x0, s1;
	[sflag:s0] =	ssyncset.done @!p0 $0x0  }
0x109: {  	[sflag:s0] =	ssyncadd.s32 @!p0 s1  }
0x10a: {  	[bflag:$0x3] =	sbarrier.arrive $0xFFFF  }
0x10b: {  	_ =	shalt  }

</sc_bundles>
